<compile_context>
chip_gen: v7x
topology: tpu7x:2x2x1
jax: 0.10.2.dev20260603
libtpu: 0.0.44.dev20260713+nightly
codegen_flags: <defaults>
</compile_context>

<pallas_src>
import functools

import jax
import jax.numpy as jnp
from jax import lax
from jax.experimental import pallas as pl
from jax.experimental.pallas import tpu as pltpu
from jax.experimental.pallas import tpu_sc as plsc

_SIGMA = 9.0
_NC = 2
_NS = 16
_NW = _NC * _NS

_CHUNK = 8000
_GROUPS = _CHUNK // 16


def _sc_body(nchunk, trips, in_hbm, tgt_hbm, out_hbm, in_v, tgt_v, acc_s, acc_c, res_v):
    wid = lax.axis_index("s") * _NC + lax.axis_index("c")

    zeros = jnp.zeros((16,), jnp.float32)
    acc_s[...] = zeros
    acc_c[...] = zeros

    i16 = lax.iota(jnp.int32, 16)
    i3 = i16 * 3
    i2 = i16 * 2

    inv_sigma = jnp.float32(1.0 / _SIGMA)
    half_sigma = jnp.float32(0.5 * _SIGMA)
    half_inv_sigma = jnp.float32(0.5 / _SIGMA)
    one = jnp.float32(1.0)

    def group(j, carry):
        s, c = carry
        b3 = j * (3 * 16)
        b2 = j * (2 * 16)
        idx0 = b3 + i3
        cls = plsc.load_gather(tgt_v, [idx0])
        r1 = plsc.load_gather(tgt_v, [idx0 + 1])
        r2 = plsc.load_gather(tgt_v, [idx0 + 2])
        idxp = b2 + i2
        p1 = plsc.load_gather(in_v, [idxp])
        p2 = plsc.load_gather(in_v, [idxp + 1])
        d1 = jnp.abs(r1 - p1)
        d2 = jnp.abs(r2 - p2)
        l1 = jnp.where(d1 < inv_sigma, half_sigma * d1 * d1, d1 - half_inv_sigma)
        l2 = jnp.where(d2 < inv_sigma, half_sigma * d2 * d2, d2 - half_inv_sigma)
        m = cls == one
        s = s + jnp.where(m, l1 + l2, 0.0)
        c = c + jnp.where(m, one, 0.0)
        return s, c

    def chunk_step(i, _):
        g = wid + i * _NW

        @pl.when(g < nchunk)
        def _():
            pltpu.sync_copy(tgt_hbm.at[pl.ds(g * (3 * _CHUNK), 3 * _CHUNK)], tgt_v)
            pltpu.sync_copy(in_hbm.at[pl.ds(g * (2 * _CHUNK), 2 * _CHUNK)], in_v)
            s, c = lax.fori_loop(0, _GROUPS, group, (acc_s[...], acc_c[...]))
            acc_s[...] = s
            acc_c[...] = c

        return 0

    lax.fori_loop(0, trips, chunk_step, 0)

    res_v[pl.ds(0, 16)] = acc_s[...]
    res_v[pl.ds(16, 16)] = acc_c[...]
    pltpu.sync_copy(res_v, out_hbm.at[pl.ds(wid * 32, 32)])


def kernel(input_data, target):
    n = input_data.shape[1]
    assert n % _CHUNK == 0
    nchunk = n // _CHUNK
    trips = (nchunk + _NW - 1) // _NW

    in_flat = input_data.reshape(-1).astype(jnp.float32)
    tgt_flat = target.reshape(-1).astype(jnp.float32)

    mesh = plsc.VectorSubcoreMesh(core_axis_name="c", subcore_axis_name="s")
    partials = pl.kernel(
        functools.partial(_sc_body, nchunk, trips),
        out_type=jax.ShapeDtypeStruct((_NW * 32,), jnp.float32),
        mesh=mesh,
        compiler_params=pltpu.CompilerParams(needs_layout_passes=False),
        scratch_types=[
            pltpu.VMEM((2 * _CHUNK,), jnp.float32),
            pltpu.VMEM((3 * _CHUNK,), jnp.float32),
            pltpu.VMEM((16,), jnp.float32),
            pltpu.VMEM((16,), jnp.float32),
            pltpu.VMEM((32,), jnp.float32),
        ],
    )(in_flat, tgt_flat)

    p = partials.reshape(_NW, 2, 16)
    total = jnp.sum(p[:, 0, :])
    cnt = jnp.sum(p[:, 1, :])
    return jnp.where(cnt > 0, total / jnp.maximum(cnt, 1.0), jnp.float32(0.0))

# --- scband reference (transcript-rebuilt; emitter-appended) ---
"""Pipeline reference for scband-rpn-regr-loss-18124761989479 (READ-ONLY COPY).

The authoritative reference and input builder live on the scoring server;
editing this copy changes nothing except your own understanding.
"""

import jax, jax.numpy as jnp
import numpy as np

N = 2000000
SIGMA = 9.0

def setup_inputs(seed: int = 0) -> dict:
    key = jax.random.key(seed)
    k1, k2 = jax.random.split(key)
    input_data = jax.random.normal(k1, (1, N, 2), dtype=jnp.float32)
    # target[0,:,0] is the cls label in {0,1}; target[0,:,1:3] are regression targets
    target = jax.random.randint(k2, (1, N, 3), 0, 2).astype(jnp.float32)
    return {"input_data": input_data, "target": target}

def reference(input_data, target):
    sigma = SIGMA
    input_data = input_data.astype(jnp.float32)
    target = target.astype(jnp.float32)
    cls = target[0, :, 0]
    regression = target[0, :, 1:3]
    # torch: regr_keep = (cls == 1).nonzero(); regr_true = regression[regr_keep]
    # jit-friendly masked equivalent: mean over kept rows == masked-sum / count
    mask = (cls == 1.0).astype(jnp.float32)
    regr_pred = input_data[0]
    diff = jnp.abs(regression - regr_pred)
    less_one = (diff < 1.0 / sigma).astype(jnp.float32)
    loss = less_one * 0.5 * diff ** 2 * sigma + jnp.abs(1.0 - less_one) * (diff - 0.5 / sigma)
    per_row = jnp.sum(loss, axis=1)
    cnt = jnp.sum(mask)
    total = jnp.sum(per_row * mask)
    # if no positive anchors, torch returns input_data.sum() * 0 == 0
    return jnp.where(cnt > 0, total / jnp.maximum(cnt, 1.0), jnp.sum(input_data) * 0.0)

if __name__ == "__main__":
    import jax
    _d = setup_inputs()
    print(jax.jit(kernel)(*tuple(_d.values())))

</pallas_src>

<mosaic_0001>
#map = affine_map<(d0, d1) -> (0)>
module attributes {stable_mosaic.version = 14 : i64} {
  func.func @_sc_body(%arg0: i32, %arg1: i32, %arg2: memref<4000000xf32, #tpu.memory_space<hbm>>, %arg3: memref<6000000xf32, #tpu.memory_space<hbm>>, %arg4: memref<1024xf32, #tpu.memory_space<hbm>>, %arg5: memref<16000xf32, #tpu.memory_space<vmem>>, %arg6: memref<24000xf32, #tpu.memory_space<vmem>>, %arg7: memref<16xf32, #tpu.memory_space<vmem>>, %arg8: memref<16xf32, #tpu.memory_space<vmem>>, %arg9: memref<32xf32, #tpu.memory_space<vmem>>) attributes {dimension_semantics = [#tpu.dimension_semantics<core_parallel>, #tpu.dimension_semantics<subcore_parallel>], iteration_bounds = array<i64: 2, 16>, scalar_prefetch = 0 : i64, scratch_operands = 5 : i64, tpu.core_type = #tpu.core_type<sc_vector_subcore>, window_params = [{transform_indices = #map}, {transform_indices = #map}, {transform_indices = #map}]} {
    %mul3A = arith.constant 2 : i32
    %mul3A_0 = arith.muli %arg1, %mul3A : i32
    %add3A = arith.addi %mul3A_0, %arg0 : i32
    %broadcast_in_dim3A = arith.constant 0.000000e+00 : f32
    %broadcast_in_dim3A_1 = vector.broadcast %broadcast_in_dim3A : f32 to vector<16xf32>
    %swap3A = arith.constant 0 : index
    %swap3A_2 = tpu.vector_load %arg7[%swap3A] {strides = array<i32>} : memref<16xf32, #tpu.memory_space<vmem>>, vector<16xf32>,
    tpu.vector_store %arg7[%swap3A], %broadcast_in_dim3A_1 {strides = array<i32>} : memref<16xf32, #tpu.memory_space<vmem>>, vector<16xf32>,
    %swap3A_3 = arith.constant 0 : index
    %swap3A_4 = tpu.vector_load %arg8[%swap3A_3] {strides = array<i32>} : memref<16xf32, #tpu.memory_space<vmem>>, vector<16xf32>,
    tpu.vector_store %arg8[%swap3A_3], %broadcast_in_dim3A_1 {strides = array<i32>} : memref<16xf32, #tpu.memory_space<vmem>>, vector<16xf32>,
    %iota3A = tpu.iota {dimensions = array<i32: 0>} : vector<16xi32>
    %mul3A_5 = arith.constant 3 : i32
    %mul3A_6 = vector.broadcast %mul3A_5 : i32 to vector<16xi32>
    %mul3A_7 = arith.muli %iota3A, %mul3A_6 : vector<16xi32>
    %mul3A_8 = arith.constant 2 : i32
    %mul3A_9 = vector.broadcast %mul3A_8 : i32 to vector<16xi32>
    %mul3A_10 = arith.muli %iota3A, %mul3A_9 : vector<16xi32>
    %scan3A = arith.constant 0.111111112 : f32
    %scan3A_11 = arith.constant 4.500000e+00 : f32
    %scan3A_12 = arith.constant 0.055555556 : f32
    %scan3A_13 = arith.constant 1.000000e+00 : f32
    %scan3A_14 = arith.constant 0 : i32
    %scan3A_15 = arith.constant 0 : i32
    %scan3A_16 = arith.constant 8 : i32
    %scan3A_17 = arith.addi %scan3A_15, %scan3A_16 : i32
    %scan3A_18 = arith.constant 1 : i32
    %scan3A_19 = scf.for %scan3A_30 = %scan3A_15 to %scan3A_17 step %scan3A_18 iter_args(%scan3A_31 = %scan3A_14) -> (i32)  : i32 {
      %mul3A_32 = arith.constant 32 : i32
      %mul3A_33 = arith.muli %scan3A_30, %mul3A_32 : i32
      %add3A_34 = arith.addi %add3A, %mul3A_33 : i32
      %lt3A = arith.constant 250 : i32
      %lt3A_35 = arith.cmpi slt, %add3A_34, %lt3A : i32
      %convert_element_type3A = arith.extui %lt3A_35 : i1 to i32
      %cond3A = arith.constant 0 : i32
      %cond3A_36 = arith.cmpi ne, %convert_element_type3A, %cond3A : i32
      scf.if %cond3A_36 {
        %mul3A_38 = arith.constant 24000 : i32
        %mul3A_39 = arith.muli %add3A_34, %mul3A_38 : i32
        "tpu.region"() ({
          %run_scoped3A = tpu.sem_alloc : memref<!tpu.dma_semaphore, #tpu.memory_space<semaphore_mem>>
          %dma_start3A = tpu.memref_slice %arg3[%mul3A_39] : memref<6000000xf32, #tpu.memory_space<hbm>> -> memref<24000xf32, #tpu.memory_space<hbm>>
          %dma_start3A_56 = tpu.memref_slice %arg3[%mul3A_39] : memref<6000000xf32, #tpu.memory_space<hbm>> -> memref<24000xf32, #tpu.memory_space<hbm>>
          tpu.enqueue_dma source(%dma_start3A_56 : memref<24000xf32, #tpu.memory_space<hbm>>) target(%arg6 : memref<24000xf32, #tpu.memory_space<vmem>>) target_semaphore(%run_scoped3A : memref<!tpu.dma_semaphore, #tpu.memory_space<semaphore_mem>>)
          %dma_wait3A = tpu.memref_slice %arg3[%mul3A_39] : memref<6000000xf32, #tpu.memory_space<hbm>> -> memref<24000xf32, #tpu.memory_space<hbm>>
          %dma_wait3A_57 = tpu.memref_slice %arg3[%mul3A_39] : memref<6000000xf32, #tpu.memory_space<hbm>> -> memref<24000xf32, #tpu.memory_space<hbm>>
          tpu.wait_dma2 semaphore(%run_scoped3A : memref<!tpu.dma_semaphore, #tpu.memory_space<semaphore_mem>>) src(%dma_wait3A_57 : memref<24000xf32, #tpu.memory_space<hbm>>) dst(%arg6 : memref<24000xf32, #tpu.memory_space<vmem>>)
          tpu.yield
        }) : () -> ()
        %mul3A_40 = arith.constant 16000 : i32
        %mul3A_41 = arith.muli %add3A_34, %mul3A_40 : i32
        "tpu.region"() ({
          %run_scoped3A = tpu.sem_alloc : memref<!tpu.dma_semaphore, #tpu.memory_space<semaphore_mem>>
          %dma_start3A = tpu.memref_slice %arg2[%mul3A_41] : memref<4000000xf32, #tpu.memory_space<hbm>> -> memref<16000xf32, #tpu.memory_space<hbm>>
          %dma_start3A_56 = tpu.memref_slice %arg2[%mul3A_41] : memref<4000000xf32, #tpu.memory_space<hbm>> -> memref<16000xf32, #tpu.memory_space<hbm>>
          tpu.enqueue_dma source(%dma_start3A_56 : memref<16000xf32, #tpu.memory_space<hbm>>) target(%arg5 : memref<16000xf32, #tpu.memory_space<vmem>>) target_semaphore(%run_scoped3A : memref<!tpu.dma_semaphore, #tpu.memory_space<semaphore_mem>>)
          %dma_wait3A = tpu.memref_slice %arg2[%mul3A_41] : memref<4000000xf32, #tpu.memory_space<hbm>> -> memref<16000xf32, #tpu.memory_space<hbm>>
          %dma_wait3A_57 = tpu.memref_slice %arg2[%mul3A_41] : memref<4000000xf32, #tpu.memory_space<hbm>> -> memref<16000xf32, #tpu.memory_space<hbm>>
          tpu.wait_dma2 semaphore(%run_scoped3A : memref<!tpu.dma_semaphore, #tpu.memory_space<semaphore_mem>>) src(%dma_wait3A_57 : memref<16000xf32, #tpu.memory_space<hbm>>) dst(%arg5 : memref<16000xf32, #tpu.memory_space<vmem>>)
          tpu.yield
        }) : () -> ()
        %get3A_42 = arith.constant 0 : index
        %get3A_43 = tpu.vector_load %arg7[%get3A_42] {strides = array<i32>} : memref<16xf32, #tpu.memory_space<vmem>>, vector<16xf32>,
        %get3A_44 = arith.constant 0 : index
        %get3A_45 = tpu.vector_load %arg8[%get3A_44] {strides = array<i32>} : memref<16xf32, #tpu.memory_space<vmem>>, vector<16xf32>,
        %scan3A_46 = arith.constant 0 : i32
        %scan3A_47 = arith.constant 500 : i32
        %scan3A_48 = arith.addi %scan3A_46, %scan3A_47 : i32
        %scan3A_49 = arith.constant 1 : i32
        %scan3A_50:2 = scf.for %scan3A_56 = %scan3A_46 to %scan3A_48 step %scan3A_49 iter_args(%scan3A_57 = %get3A_43, %scan3A_58 = %get3A_45) -> (vector<16xf32>, vector<16xf32>)  : i32 {
          %mul3A_59 = arith.constant 48 : i32
          %mul3A_60 = arith.muli %scan3A_56, %mul3A_59 : i32
          %mul3A_61 = arith.constant 32 : i32
          %mul3A_62 = arith.muli %scan3A_56, %mul3A_61 : i32
          %add3A_63 = vector.broadcast %mul3A_60 : i32 to vector<16xi32>
          %add3A_64 = arith.addi %add3A_63, %mul3A_7 : vector<16xi32>
          %gather3A = tpu.vector_load_idx %arg6[%add3A_64] : memref<24000xf32, #tpu.memory_space<vmem>>[vector<16xi32>], vector<16xf32>,
          %add3A_65 = arith.constant 1 : i32
          %add3A_66 = vector.broadcast %add3A_65 : i32 to vector<16xi32>
          %add3A_67 = arith.addi %add3A_64, %add3A_66 : vector<16xi32>
          %gather3A_68 = tpu.vector_load_idx %arg6[%add3A_67] : memref<24000xf32, #tpu.memory_space<vmem>>[vector<16xi32>], vector<16xf32>,
          %add3A_69 = arith.constant 2 : i32
          %add3A_70 = vector.broadcast %add3A_69 : i32 to vector<16xi32>
          %add3A_71 = arith.addi %add3A_64, %add3A_70 : vector<16xi32>
          %gather3A_72 = tpu.vector_load_idx %arg6[%add3A_71] : memref<24000xf32, #tpu.memory_space<vmem>>[vector<16xi32>], vector<16xf32>,
          %add3A_73 = vector.broadcast %mul3A_62 : i32 to vector<16xi32>
          %add3A_74 = arith.addi %add3A_73, %mul3A_10 : vector<16xi32>
          %gather3A_75 = tpu.vector_load_idx %arg5[%add3A_74] : memref<16000xf32, #tpu.memory_space<vmem>>[vector<16xi32>], vector<16xf32>,
          %add3A_76 = arith.constant 1 : i32
          %add3A_77 = vector.broadcast %add3A_76 : i32 to vector<16xi32>
          %add3A_78 = arith.addi %add3A_74, %add3A_77 : vector<16xi32>
          %gather3A_79 = tpu.vector_load_idx %arg5[%add3A_78] : memref<16000xf32, #tpu.memory_space<vmem>>[vector<16xi32>], vector<16xf32>,
          %sub3A = arith.subf %gather3A_68, %gather3A_75 : vector<16xf32>
          %abs3A = math.absf %sub3A : vector<16xf32>
          %sub3A_80 = arith.subf %gather3A_72, %gather3A_79 : vector<16xf32>
          %abs3A_81 = math.absf %sub3A_80 : vector<16xf32>
          %lt3A_82 = vector.broadcast %scan3A : f32 to vector<16xf32>
          %lt3A_83 = arith.cmpf olt, %abs3A, %lt3A_82 : vector<16xf32>
          %mul3A_84 = vector.broadcast %scan3A_11 : f32 to vector<16xf32>
          %mul3A_85 = arith.mulf %mul3A_84, %abs3A : vector<16xf32>
          %mul3A_86 = arith.mulf %mul3A_85, %abs3A : vector<16xf32>
          %sub3A_87 = vector.broadcast %scan3A_12 : f32 to vector<16xf32>
          %sub3A_88 = arith.subf %abs3A, %sub3A_87 : vector<16xf32>
          %select_n3A = arith.select %lt3A_83, %mul3A_86, %sub3A_88 : vector<16xi1>, vector<16xf32>
          %lt3A_89 = vector.broadcast %scan3A : f32 to vector<16xf32>
          %lt3A_90 = arith.cmpf olt, %abs3A_81, %lt3A_89 : vector<16xf32>
          %mul3A_91 = vector.broadcast %scan3A_11 : f32 to vector<16xf32>
          %mul3A_92 = arith.mulf %mul3A_91, %abs3A_81 : vector<16xf32>
          %mul3A_93 = arith.mulf %mul3A_92, %abs3A_81 : vector<16xf32>
          %sub3A_94 = vector.broadcast %scan3A_12 : f32 to vector<16xf32>
          %sub3A_95 = arith.subf %abs3A_81, %sub3A_94 : vector<16xf32>
          %select_n3A_96 = arith.select %lt3A_90, %mul3A_93, %sub3A_95 : vector<16xi1>, vector<16xf32>
          %eq3A = vector.broadcast %scan3A_13 : f32 to vector<16xf32>
          %eq3A_97 = arith.cmpf oeq, %gather3A, %eq3A : vector<16xf32>
          %add3A_98 = arith.addf %select_n3A, %select_n3A_96 : vector<16xf32>
          %jit3A = arith.constant 0.000000e+00 : f32
          %broadcast_in_dim3A_99 = vector.broadcast %jit3A : f32 to vector<16xf32>
          %select_n3A_100 = arith.select %eq3A_97, %add3A_98, %broadcast_in_dim3A_99 : vector<16xi1>, vector<16xf32>
          %add3A_101 = arith.addf %scan3A_57, %select_n3A_100 : vector<16xf32>
          %jit3A_102 = arith.constant 0.000000e+00 : f32
          %broadcast_in_dim3A_103 = vector.broadcast %scan3A_13 : f32 to vector<16xf32>
          %broadcast_in_dim3A_104 = vector.broadcast %jit3A_102 : f32 to vector<16xf32>
          %select_n3A_105 = arith.select %eq3A_97, %broadcast_in_dim3A_103, %broadcast_in_dim3A_104 : vector<16xi1>, vector<16xf32>
          %add3A_106 = arith.addf %scan3A_58, %select_n3A_105 : vector<16xf32>
          scf.yield %add3A_101, %add3A_106 : vector<16xf32>, vector<16xf32>
        }
        %scan3A_51 = arith.constant 500 : i32
        %swap3A_52 = arith.constant 0 : index
        %swap3A_53 = tpu.vector_load %arg7[%swap3A_52] {strides = array<i32>} : memref<16xf32, #tpu.memory_space<vmem>>, vector<16xf32>,
        tpu.vector_store %arg7[%swap3A_52], %scan3A_50#0 {strides = array<i32>} : memref<16xf32, #tpu.memory_space<vmem>>, vector<16xf32>,
        %swap3A_54 = arith.constant 0 : index
        %swap3A_55 = tpu.vector_load %arg8[%swap3A_54] {strides = array<i32>} : memref<16xf32, #tpu.memory_space<vmem>>, vector<16xf32>,
        tpu.vector_store %arg8[%swap3A_54], %scan3A_50#1 {strides = array<i32>} : memref<16xf32, #tpu.memory_space<vmem>>, vector<16xf32>,
      } else {
      }
      %scan3A_37 = arith.constant 0 : i32
      scf.yield %scan3A_37 : i32
    }
    %scan3A_20 = arith.constant 8 : i32
    %get3A = arith.constant 0 : index
    %get3A_21 = tpu.vector_load %arg7[%get3A] {strides = array<i32>} : memref<16xf32, #tpu.memory_space<vmem>>, vector<16xf32>,
    %swap3A_22 = arith.constant 0 : index
    %swap3A_23 = tpu.vector_load %arg9[%swap3A_22] {strides = array<i32>} : memref<32xf32, #tpu.memory_space<vmem>>, vector<16xf32>,
    tpu.vector_store %arg9[%swap3A_22], %get3A_21 {strides = array<i32>} : memref<32xf32, #tpu.memory_space<vmem>>, vector<16xf32>,
    %get3A_24 = arith.constant 0 : index
    %get3A_25 = tpu.vector_load %arg8[%get3A_24] {strides = array<i32>} : memref<16xf32, #tpu.memory_space<vmem>>, vector<16xf32>,
    %swap3A_26 = arith.constant 16 : index
    %swap3A_27 = tpu.vector_load %arg9[%swap3A_26] {strides = array<i32>} : memref<32xf32, #tpu.memory_space<vmem>>, vector<16xf32>,
    tpu.vector_store %arg9[%swap3A_26], %get3A_25 {strides = array<i32>} : memref<32xf32, #tpu.memory_space<vmem>>, vector<16xf32>,
    %mul3A_28 = arith.constant 32 : i32
    %mul3A_29 = arith.muli %add3A, %mul3A_28 : i32
    "tpu.region"() ({
      %run_scoped3A = tpu.sem_alloc : memref<!tpu.dma_semaphore, #tpu.memory_space<semaphore_mem>>
      %dma_start3A = tpu.memref_slice %arg4[%mul3A_29] : memref<1024xf32, #tpu.memory_space<hbm>> -> memref<32xf32, #tpu.memory_space<hbm>>
      %dma_start3A_30 = tpu.memref_slice %arg4[%mul3A_29] : memref<1024xf32, #tpu.memory_space<hbm>> -> memref<32xf32, #tpu.memory_space<hbm>>
      tpu.enqueue_dma source(%arg9 : memref<32xf32, #tpu.memory_space<vmem>>) target(%dma_start3A_30 : memref<32xf32, #tpu.memory_space<hbm>>) target_semaphore(%run_scoped3A : memref<!tpu.dma_semaphore, #tpu.memory_space<semaphore_mem>>)
      %dma_wait3A = tpu.memref_slice %arg4[%mul3A_29] : memref<1024xf32, #tpu.memory_space<hbm>> -> memref<32xf32, #tpu.memory_space<hbm>>
      %dma_wait3A_31 = tpu.memref_slice %arg4[%mul3A_29] : memref<1024xf32, #tpu.memory_space<hbm>> -> memref<32xf32, #tpu.memory_space<hbm>>
      tpu.wait_dma2 semaphore(%run_scoped3A : memref<!tpu.dma_semaphore, #tpu.memory_space<semaphore_mem>>) src(%arg9 : memref<32xf32, #tpu.memory_space<vmem>>) dst(%dma_wait3A_31 : memref<32xf32, #tpu.memory_space<hbm>>)
      tpu.yield
    }) : () -> ()
    return
  }
}

</mosaic_0001>

<sc_bundles>
// kernel: kernel.3.cloned.1.call-start
scs
__scs_entry_jumppad:
0x0: {  	(pc) =	sbr.rel $0x88, $3  }
0x1: {  	(tag) =	ssettag $0x0;
	lr =	simm.s32 $0x1  }
0x2: {  	[smem:$0x3F9F] =	sst lr;
	_ =	strace $0xD0000000  }
0x3: {  	_ = 	snop  }
0x4: {  	_ = 	snop  }
0x5: {  	_ = 	snop  }
0x6: {  	_ = 	snop  }
0x7: {  	_ = 	snop  }
__scs_overlays_trampoline_lowered:
0x8: {  	[smem:$0x3FAE] =	sst s0  }
0x9: {  	[smem:$0x3FAF] =	sst s1  }
0xa: {  	[smem:$0x3FB0] =	sst s2  }
0xb: {  	[smem:$0x3FB1] =	sst s3  }
0xc: {  	[smem:$0x3FB2] =	sst s4  }
0xd: {  	[smem:$0x3FB3] =	sst s5  }
0xe: {  	[smem:$0x3FB4] =	sst s6  }
0xf: {  	[smem:$0x3FB5] =	sst s7  }
0x10: {  	[smem:$0x3FB6] =	sst s8  }
0x11: {  	[smem:$0x3FB7] =	sst s9;
	s0 =	simm.s32 @!p0 $0x0  }
0x12: {  	s1 =	sld [smem:$0x3F9D];
	s0 =	simm.s32 @p0 $0x1  }
0x13: {  	[smem:$0x3FB8] =	sst s0;
	s0 =	simm.s32 @!p1 $0x0  }
0x14: {  	s2 =	sld [smem:$0x3F9C];
	s0 =	simm.s32 @p1 $0x1  }
0x15: {  	[smem:$0x3FB9] =	sst s0;
	s0 =	simm.s32 @!p2 $0x0  }
0x16: {  	s3 =	sld [smem:$0x3FDB];
	s0 =	simm.s32 @p2 $0x1  }
0x17: {  	s4 =	simm.s32 $0x1BF5;
	[smem:$0x3FBB] =	sst s0  }
0x18: {  	s0 =	sld [smem:$0x3F9E];
	_ =	swait.ge [sflag:s4], $0x0  }
0x19: {  	s7 =	sld [smem:$0x3F9F]  }
0x1a: {  	s8 =	sadd.s32 $0xFFFFE003, lr  }
0x1b: {  	s9 =	sadd.s32 $0xFFFFFEF7, lr;
	s5 =	simm.s32 $0xFFFFFFFF;
	p2 =	slt.u32 s8, $0xFFFFF086  }
0x1c: {  	p1 =	slt.u32 s9, $0xF7A;
	s5 =	simm.s32 @!p2 $0x0  }
0x1d: {  	s5 =	simm.s32 @p1 $0x1;
	p0 =	seq.s32 s7, s2  }
0x1e: {  	s7 =	smul.u32 @!p0 $0xF7A, s2;
	p2 =	seq.s32 @!p0 s5, $0x0  }
0x1f: {  	s9 =	smul.u32 $0xF7A, s1;
	s8 =	simm.s32 @!p0 $0x1BF5;
	p2 =	por !p2, p0  }
0x20: {  	[sflag:s8] =	ssyncset.s32 @!p0 $0xFFFFF086;
	s6 =	sadd.s32 @!p0 s3, s7;
	s7 =	simm.s32 @!p0 $0x108  }
0x21: {  	s3 =	sadd.s32 s3, s9;
	s6 =	sadd.s32 @!p0 $0x88, s6;
	s7 =	simm.s32 @p2 $0x1082  }
0x22: {  	[simem:s7], [sflag:s8] =	dma.local @!p0 [hbm:s6], $0xF7A  }
0x23: {  	s9 =	sor.u32 $0xD0000000, s2;
	s6 =	simm.s32 $0x108;
	_ =	swait.ge @!p0 [sflag:s8], $0x0  }
0x24: {  	s3 =	sadd.s32 $0x88, s3;
	s6 =	simm.s32 @!p1 $0x1082;
	[sflag:s4] =	ssyncset.s32 $0xFFFFF086  }
0x25: {  	[simem:s6], [sflag:s4] =	dma.local [hbm:s3], $0xF7A  }
0x26: {  	[smem:$0x3F9F] =	sst s1;
	(tag) =	ssettag s2;
	_ =	strace s9  }
0x27: {  	s1 =	sld [smem:$0x3FAF]  }
0x28: {  	s2 =	sld [smem:$0x3FB0]  }
0x29: {  	s4 =	sld [smem:$0x3FB2]  }
0x2a: {  	p0 =	seq.s32 s5, $0x0;
	s5 =	sld [smem:$0x3FB3]  }
0x2b: {  	s6 =	sld [smem:$0x3FB4]  }
0x2c: {  	s7 =	sld [smem:$0x3FB5]  }
0x2d: {  	s3 =	simm.s32 $0x108;
	s8 =	sld [smem:$0x3FB6]  }
0x2e: {  	s3 =	simm.s32 @!p0 $0x1082;
	s9 =	sld [smem:$0x3FB7]  }
0x2f: {  	lr =	sadd.s32 s0, s3;
	s0 =	sld [smem:$0x3FAE]  }
0x30: {  	s3 =	sld [smem:$0x3FB1]  }
0x31: {  	[smem:$0x3FBA] =	sst s10  }
0x32: {  	s10 =	sld [smem:$0x3FB8];
	_ =	sdelay $0x3  }
0x33: {  	p0 =	seq.s32 s10, $0x1;
	s10 =	sld [smem:$0x3FBA];
	_ =	sdelay $0x3  }
0x34: {  	[smem:$0x3FBA] =	sst s10  }
0x35: {  	s10 =	sld [smem:$0x3FB9];
	_ =	sdelay $0x3  }
0x36: {  	p1 =	seq.s32 s10, $0x1;
	s10 =	sld [smem:$0x3FBA];
	_ =	sdelay $0x3  }
0x37: {  	[smem:$0x3FBA] =	sst s10  }
0x38: {  	s10 =	sld [smem:$0x3FBB]  }
0x39: {  	_ = 	snop;
	(pc) =	sbr.ind lr, $3  }
0x3a: {  	_ = 	snop  }
0x3b: {  	_ = 	snop  }
0x3c: {  	p2 =	seq.s32 s10, $0x1;
	s10 =	sld [smem:$0x3FBA]  }
0x3d: {  	_ =	shalt  }
0x3e: {  	_ =	shalt  }
0x3f: {  	_ =	shalt  }
0x40: {  	_ =	shalt  }
0x41: {  	_ =	shalt  }
0x42: {  	_ =	shalt  }
0x43: {  	_ =	shalt  }
0x44: {  	_ =	shalt  }
0x45: {  	_ =	shalt  }
0x46: {  	_ =	shalt  }
0x47: {  	_ =	shalt  }
0x48: {  	_ =	shalt  }
0x49: {  	_ =	shalt  }
0x4a: {  	_ =	shalt  }
0x4b: {  	_ =	shalt  }
0x4c: {  	_ =	shalt  }
0x4d: {  	_ =	shalt  }
0x4e: {  	_ =	shalt  }
0x4f: {  	_ =	shalt  }
0x50: {  	_ =	shalt  }
0x51: {  	_ =	shalt  }
0x52: {  	_ =	shalt  }
0x53: {  	_ =	shalt  }
0x54: {  	_ =	shalt  }
0x55: {  	_ =	shalt  }
0x56: {  	_ =	shalt  }
0x57: {  	_ =	shalt  }
0x58: {  	_ =	shalt  }
0x59: {  	_ =	shalt  }
0x5a: {  	_ =	shalt  }
0x5b: {  	_ =	shalt  }
0x5c: {  	_ =	shalt  }
0x5d: {  	_ =	shalt  }
0x5e: {  	_ =	shalt  }
0x5f: {  	_ =	shalt  }
0x60: {  	_ =	shalt  }
0x61: {  	_ =	shalt  }
0x62: {  	_ =	shalt  }
0x63: {  	_ =	shalt  }
0x64: {  	_ =	shalt  }
0x65: {  	_ =	shalt  }
0x66: {  	_ =	shalt  }
0x67: {  	_ =	shalt  }
0x68: {  	_ =	shalt  }
0x69: {  	_ =	shalt  }
0x6a: {  	_ =	shalt  }
0x6b: {  	_ =	shalt  }
0x6c: {  	_ =	shalt  }
0x6d: {  	_ =	shalt  }
0x6e: {  	_ =	shalt  }
0x6f: {  	_ =	shalt  }
0x70: {  	_ =	shalt  }
0x71: {  	_ =	shalt  }
0x72: {  	_ =	shalt  }
0x73: {  	_ =	shalt  }
0x74: {  	_ =	shalt  }
0x75: {  	_ =	shalt  }
0x76: {  	_ =	shalt  }
0x77: {  	_ =	shalt  }
0x78: {  	_ =	shalt  }
0x79: {  	_ =	shalt  }
0x7a: {  	_ =	shalt  }
0x7b: {  	_ =	shalt  }
0x7c: {  	_ =	shalt  }
0x7d: {  	_ =	shalt  }
0x7e: {  	_ =	shalt  }
0x7f: {  	_ =	shalt  }
0x80: {  	_ =	shalt  }
0x81: {  	_ =	shalt  }
0x82: {  	_ =	shalt  }
0x83: {  	_ =	shalt  }
0x84: {  	_ =	shalt  }
0x85: {  	_ =	shalt  }
0x86: {  	_ =	shalt  }
0x87: {  	_ =	shalt  }
.Lfunc_end0:
.L_simem_size_0:
called_computation_lowered:
.L_overlay_start_0:
0x88: {  	s2 =	sld [smem:$0x3FD9]  }
0x89: {  	s3 =	sld [smem:$0x3FFE];
	_ =	sdelay $0x1  }
0x8a: {  	s1 =	srdreg.scid  }
0x8b: {  	s0 =	sand.u32 $0x1, s1  }
0x8c: {  	s16 =	sshll.u32 s0, $0xA;
	s2 =	sadd.s32 s3, s2  }
0x8d: {  	s2 =	sadd.s32 s2, s16  }
0x8e: {  	[smem:$0x3FC6] =	sst s2  }
0x8f: {  	_ = 	snop  }
0x90: {  	(tm) =	ssettm $0x1  }
0x91: {  	s17 =	sld [smem:$0x3FFB];
	_ =	sdelay $0x3  }
0x92: {  	_ =	strace s17  }
0x93: {  	s2 =	sld [smem:$0x3FFC];
	_ =	sdelay $0x3  }
0x94: {  	_ =	strace s2  }
0x95: {  	s2 =	sld [smem:$0x3FFD];
	_ =	sdelay $0x3  }
0x96: {  	_ =	strace s2  }
0x97: {  	_ =	strace $0x8FFFFFFF  }
0x98: {  	s18 =	sld [smem:$0x3FDB];
	_ =	sdelay $0x1  }
0x99: {  	s19 =	simm.s32 $_scs_section_size  }
0x9a: {  	s4 =	simm.s32 $_size__tile_overlayer_lowered;
	s5 =	simm.s32 $_tile_overlayer_lowered  }
0x9b: {  	s22 =	simm.s32 $0x1BFF;
	s21 =	sshll.u32 s5, $0x1;
	s2 =	sadd.s32 s19, s18  }
0x9c: {  	s6 =	simm.s32 $0x0;
	s20 =	sshll.u32 s4, $0x1;
	s4 =	sadd.s32 s21, s2  }
0x9d: {  	[timem:s6], [sflag:s22] =	dma.local [hbm:s4], s20  }
0x9e: {  	_ =	swait.ge [sflag:s22], s20  }
0x9f: {  	s3 =	ssub.s32 $0x0, s20;
	[sflag:s22] =	ssyncset.done $0x0  }
0xa0: {  	[sflag:s22] =	ssyncadd.s32 s3;
	_ =	sdelay $0x1  }
0xa1: {  	s23 =	simm.s32 $0x1B8B  }
0xa2: {  	_ =	swait.ge [sflag:s23], $0x1  }
0xa3: {  	[sflag:s23] =	ssyncset.done $0x0  }
0xa4: {  	s25 =	simm.s32 $0x1B8E;
	s24 =	sld [smem:$0x3FFE];
	[sflag:s23] =	ssyncadd.s32 $0xFFFFFFFF  }
0xa5: {  	s26 =	simm.s32 $execute0_lowered;
	[smem:$0x3FD2] =	sst s25  }
0xa6: {  	s4 =	sshll.u32 s26, $0x1;
	_ =	strace $0x80000046;
	[dreg:$0x1] =	wrdreg $0xFFFFFFFF  }
0xa7: {  	s28 =	simm.s32 $_size_execute0_lowered;
	s2 =	sadd.s32 s2, s4;
	[dreg:$0x0] =	wrdreg $0x0  }
0xa8: {  	s4 =	sshll.u32 s28, $0x1;
	[dreg:$0x2] =	wrdreg s2  }
0xa9: {  	[dreg:$0x3] =	wrdreg s4  }
0xaa: {  	[dreg:$0x4] =	wrdreg $0xC0  }
0xab: {  	_ =	task [dreg:s6], $0x5FFFF  }
0xac: {  	[dreg:$0x1] =	wrdreg $0xFFFFFFFF  }
0xad: {  	[dreg:$0x0] =	wrdreg $0x60  }
0xae: {  	[dreg:$0x2] =	wrdreg s24  }
0xaf: {  	[dreg:$0x3] =	wrdreg $0x9  }
0xb0: {  	_ =	task.clear_ibuf [dreg:s6], $0x4FFFF;
	_ =	strace $0x90000046  }
0xb1: {  	s29 =	simm.s32 $0x9;
	_ =	strace $0x80000048  }
0xb2: {  	_ =	swait.ge [sflag:s29], $0x1  }
0xb3: {  	[sflag:s29] =	ssyncadd.s32 $0xFFFFFFFF  }
0xb4: {  	_ =	strace $0x90000048  }
0xb5: {  	_ =	sfence  }
0xb6: {  	s30 =	sld [smem:$0x0];
	_ =	sdelay $0x2  }
0xb7: {  	s31 =	sshll.u32 s1, $0xD;
	s1 =	sshrl.u32 s1, $0x2  }
0xb8: {  	s3 =	sand.u32 $0x4000, s31;
	s1 =	sadd.s32 s1, s30  }
0xb9: {  	s0 =	sor.u32 s3, s0;
	s1 =	sshll.u32 s1, $0x11  }
0xba: {  	s0 =	sor.u32 s1, s0  }
0xbb: {  	s0 =	sadd.s32 $0x8F2B, s0  }
0xbc: {  	[sflag:s0] =	ssyncadd.remote.s32 $0x1  }
0xbd: {  	_ =	sfence.sel $0xFFFF  }
0xbe: {  	[dreg:$0x0] =	wrdreg $0xFFFFFFFF;
	(pc) =	sbr.abs _section_cstart, $3  }
0xbf: {  	[dreg:$0x1] =	wrdreg $0xFFFFFFFF  }
0xc0: {  	_ =	task.clear_ibuf [dreg:s6], $0x2FFFF;
	_ =	strace $0x9FFFFFFF  }
0xc1: {  	(tm) =	ssettm $0x7FFFFFFF  }
tec
execute0_lowered:
.L_overlay_start_1:
0x0: {  	(tag) =	ssettag $0x1  }
0x1: {  	s6 =	rddreg [dreg:$0x0]  }
0x2: {  	s0 =	rddreg [dreg:$0x1]  }
0x3: {  	s2 =	simm.s32 $0x0;
	s3 =	srdreg.scid;
	s1 =	stileid.u32  }
0x4: {  	s9 =	simm.s32 $0x1;
	s10 =	simm.s32 $0x9D80;
	s11 =	simm.s32 $0x0  }
.Ltmp0:
0x5: {  	[smem:$0x7FF] =	sst s2;
	s4 =	sand.u32 $0x1, s3;
	(pc) =	sbr.rel .LBB2_1-.Ltmp0, $4  }
0x6: {  	v1 =	vlaneseq.u32;
	s5 =	sshll.u32 s1, $0x1;
	s3 =	sadd.s32 $0x1E84800, s6;
	s7 =	ssub.s32 $0x2, s4  }
0x7: {  	v0 =	vmul.u32 $0x3, v1;
	v1 =	vmul.u32 $0x2, v1;
	_ =	strace $0x80000047;
	s4 =	sor.u32 s4, s5;
	s8 =	sshrl.u32 s7, $0x1  }
0x8: {  	v2 =	vimm.f32 $0.0e+00;
	s5 =	sadd.s32 $0x1EFEA00, s6;
	s31 =	sshll.u32 s4, $0x2;
	s7 =	ssub.s32 s7, s8  }
0x9: {  	v3 =	vadd.s32 $0x1, v0;
	v4 =	vadd.s32 $0x2, v0;
	v5 =	vor.u32 $0x1, v1;
	s6 =	sadd.s32 s6, s31;
	s8 =	simm.s32 $0x3E80;
	s7 =	smax.u32 s7, $0x1  }
.LBB2_7:
0xa: {  	v6 =	vld [tilespmem:$0x9C80]  }
0xb: {  	v7 =	vld [tilespmem:$0x9D00];
	_ =	sdelay $0x2  }
0xc: {  	s11 =	sadd.s32 $0x1, s11  }
0xd: {  	p0 =	sne.s32 s11, s7;
	[tilespmem:$0x9D80] =	vst v6  }
.Ltmp1:
0xe: {  	[tilespmem:$0x9D90] =	vst v7;
	(pc) =	sbr.rel @!p0 .LBB2_8-.Ltmp1, $4  }
0xf: {  	[hbm4b:s6+s2] =	stream.linear.scatter [tilespmem:s10], [sflag:$0x1], $0x20, $0x38;
	[tilespmem:$0x9E00] =	vst v63  }
0x10: {  	_ =	swait.ge [sflag:s9], $0x20  }
0x11: {  	[sflag:s9] =	ssyncset.done $0x0  }
0x12: {  	[sflag:s9] =	ssyncadd.s32 $0xFFFFFFE0  }
.LBB2_1:
.Ltmp2:
0x13: {  	(pc) =	sbr.rel .LBB2_2-.Ltmp2, $3  }
0x14: {  	_ =	sdelay $0x1  }
0x15: {  	[tilespmem:$0x9C80] =	vst v2  }
0x16: {  	[tilespmem:$0x9D00] =	vst v2;
	s12 =	simm.s32 $0x0  }
.LBB2_6:
0x17: {  	s12 =	sadd.s32 $0x1, s12  }
0x18: {  	p0 =	sne.s32 s12, $0x8  }
.Ltmp3:
0x19: {  	_ = 	snop;
	(pc) =	sbr.rel @!p0 .LBB2_7-.Ltmp3, $1  }
0x1a: {  	_ =	sdelay $0x3  }
.LBB2_2:
0x1b: {  	s13 =	sshll.u32 s12, $0x5  }
0x1c: {  	s13 =	sor.u32 s4, s13  }
0x1d: {  	p0 =	sgt.u32 s13, $0xF9  }
.Ltmp4:
0x1e: {  	_ = 	snop;
	(pc) =	sbr.rel @p0 .LBB2_6-.Ltmp4, $1  }
0x1f: {  	_ =	sdelay $0x3  }
0x20: {  	s14 =	smul.u32 $0xBB8, s13;
	_ =	sdelay $0x1  }
0x21: {  	s15 =	simm.s32 $0x0;
	s14 =	sadd.s32 s5, s14  }
0x22: {  	[tilespmem:s8], [sflag:$0x1] =	stream.linear.gather [hbm4b:s14+s15], $0x5DC0, $0x38;
	[tilespmem:$0x9E00] =	vst v63  }
0x23: {  	s26 =	smul.u32 $0x7D0, s13;
	_ =	swait.ge [sflag:s9], $0x5DC0  }
0x24: {  	[sflag:s9] =	ssyncset.done $0x0  }
0x25: {  	v7 =	vadd.s32 s15, v4;
	s13 =	sadd.s32 s3, s26;
	[sflag:s9] =	ssyncadd.s32 $0xFFFFA240  }
0x26: {  	v9 =	vor.u32 s15, v5;
	[tilespmem:s15], [sflag:$0x1] =	stream.linear.gather [hbm4b:s13+s15], $0x3E80, $0x38;
	[tilespmem:$0x9E00] =	vst v63  }
0x27: {  	v6 =	vadd.s32 s15, v3;
	_ =	swait.ge [sflag:s9], $0x3E80  }
0x28: {  	v8 =	vor.u32 s15, v1;
	[sflag:s9] =	ssyncset.done $0x0  }
0x29: {  	[sflag:s9] =	ssyncadd.s32 $0xFFFFC180  }
0x2a: {  	v7 =	vld.idx.msk [tilespmem:v7+s8+$0x0], $0xffff  }
0x2b: {  	v9 =	vld.idx.msk [tilespmem:v9+s2+$0x0], $0xffff  }
0x2c: {  	s28 =	simm.s32 $0x30;
	v10 =	vadd.s32 s15, v0;
	v6 =	vld.idx.msk [tilespmem:v6+s8+$0x0], $0xffff  }
0x2d: {  	s29 =	simm.s32 $0x20;
	v11 =	vadd.s32 s28, v3;
	v8 =	vld.idx.msk [tilespmem:v8+s2+$0x0], $0xffff  }
0x2e: {  	v13 =	vor.u32 s29, v1  }
0x2f: {  	v14 =	vor.u32 s29, v5  }
0x30: {  	v12 =	vadd.s32 s28, v4;
	v7 =	vsub.f32 v7, v9  }
0x31: {  	v10 =	vld.idx.msk [tilespmem:v10+s8+$0x0], $0xffff  }
0x32: {  	v6 =	vsub.f32 v6, v8;
	v8 =	vld.idx.msk [tilespmem:v11+s8+$0x0], $0xffff;
	v7 =	vand.u32 $0x7FFFFFFF, v7  }
0x33: {  	s30 =	simm.s32 $0x60;
	v11 =	vld.idx.msk [tilespmem:v13+s2+$0x0], $0xffff;
	v13 =	vmul.f32 $4.500000000e+00, v7  }
0x34: {  	v18 =	vadd.s32 s28, v0;
	v19 =	vadd.s32 s30, v3;
	v14 =	vld.idx.msk [tilespmem:v14+s2+$0x0], $0xffff;
	v6 =	vand.u32 $0x7FFFFFFF, v6  }
0x35: {  	v9 =	vld.idx.msk [tilespmem:v12+s8+$0x0], $0xffff;
	v12 =	vmul.f32 $4.500000000e+00, v6;
	v16 =	vadd.f32 $-5.555555600e-02, v7;
	v13 =	vmul.f32 v13, v7  }
0x36: {  	v15 =	vadd.f32 $-5.555555600e-02, v6;
	vm1 =	vlt.f32 v7, $1.111111120e-01  }
0x37: {  	s31 =	simm.s32 $0x40;
	v12 =	vmul.f32 v12, v6;
	v7 =	vsel vm1, v13, v16;
	v13 =	vadd.s32 s30, v4  }
0x38: {  	v20 =	vor.u32 s31, v5;
	v17 =	vld [tilespmem:$0x9C80];
	vm0 =	vlt.f32 v6, $1.111111120e-01;
	v16 =	vor.u32 s31, v1  }
0x39: {  	vm13 =	veq.f32 v10, $1.000000000e+00;
	v10 =	vld.idx.msk [tilespmem:v19+s8+$0x0], $0xffff;
	v11 =	vsub.f32 v8, v11;
	v6 =	vsel vm0, v12, v15  }
0x3a: {  	v9 =	vsub.f32 v9, v14;
	v12 =	vld.idx.msk [tilespmem:v18+s8+$0x0], $0xffff;
	v6 =	vadd.f32 v7, v6  }
0x3b: {  	v8 =	vsel vm13, $0x3F800000, v2;
	v21 =	vand.u32 $0x7FFFFFFF, v11;
	v7 =	vld [tilespmem:$0x9D00]  }
0x3c: {  	v22 =	vand.u32 $0x7FFFFFFF, v9;
	v9 =	vadd.s32 s30, v0;
	v6 =	vnsel vm13, $0x0, v6;
	v11 =	vld.idx.msk [tilespmem:v13+s8+$0x0], $0xffff  }
0x3d: {  	s13 =	simm.s32 $0x90;
	v18 =	vmul.f32 $4.500000000e+00, v22;
	v6 =	vadd.f32 v6, v17;
	v17 =	vmul.f32 $4.500000000e+00, v21;
	v13 =	vld.idx.msk [tilespmem:v16+s2+$0x0], $0xffff  }
0x3e: {  	v14 =	vadd.s32 s13, v4;
	v15 =	vadd.s32 s13, v3;
	v19 =	vadd.f32 $-5.555555600e-02, v21;
	v16 =	vld.idx.msk [tilespmem:v20+s2+$0x0], $0xffff  }
0x3f: {  	s14 =	simm.s32 $0x60;
	v25 =	vadd.f32 $-5.555555600e-02, v22;
	v24 =	vmul.f32 v18, v22;
	v23 =	vmul.f32 v17, v21  }
0x40: {  	vm14 =	vlt.f32 v21, $1.111111120e-01;
	vm15 =	vlt.f32 v22, $1.111111120e-01;
	v18 =	vor.u32 s14, v1  }
0x41: {  	s15 =	simm.s32 $0xC0;
	v20 =	vsel vm15, v24, v25;
	v17 =	vor.u32 s14, v5;
	v19 =	vsel vm14, v23, v19  }
.LBB2_4:
0x42: {  	p0 =	sne.s32 s15, $0x5D90;
	v21 =	vld.idx.msk [tilespmem:v9+s8+$0x0], $0xffff;
	v9 =	vadd.f32 v20, v19;
	v7 =	vadd.f32 v8, v7  }
0x43: {  	v19 =	vsub.f32 v10, v13;
	vm0 =	veq.f32 v12, $1.000000000e+00;
	v10 =	vld.idx.msk [tilespmem:v15+s8+$0x0], $0xffff;
	v15 =	vsub.f32 v11, v16  }
0x44: {  	v8 =	vsel vm0, $0x3F800000, v2;
	v11 =	vld.idx.msk [tilespmem:v14+s8+$0x0], $0xffff;
	v9 =	vnsel vm0, $0x0, v9  }
0x45: {  	v19 =	vand.u32 $0x7FFFFFFF, v19;
	v13 =	vld.idx.msk [tilespmem:v18+s2+$0x0], $0xffff;
	v20 =	vand.u32 $0x7FFFFFFF, v15;
	v6 =	vadd.f32 v9, v6  }
.Ltmp5:
0x46: {  	v9 =	vadd.s32 s13, v0;
	v18 =	vmul.f32 $4.500000000e+00, v19;
	s13 =	smov.u32 s15;
	v16 =	vld.idx.msk [tilespmem:v17+s2+$0x0], $0xffff;
	v17 =	vmul.f32 $4.500000000e+00, v20;
	(pc) =	sbr.rel @p0 .LBB2_4-.Ltmp5, $4  }
0x47: {  	v14 =	vadd.s32 s15, v4;
	v15 =	vadd.s32 s15, v3;
	v22 =	vadd.f32 $-5.555555600e-02, v19  }
0x48: {  	s14 =	sadd.s32 $0x20, s14;
	v25 =	vadd.f32 $-5.555555600e-02, v20;
	v23 =	vmul.f32 v18, v19;
	v12 =	vmovc v21;
	v24 =	vmul.f32 v17, v20  }
0x49: {  	vm0 =	vlt.f32 v19, $1.111111120e-01;
	vm1 =	vlt.f32 v20, $1.111111120e-01;
	v18 =	vor.u32 s14, v1  }
0x4a: {  	s15 =	sadd.s32 $0x30, s15;
	v17 =	vor.u32 s14, v5;
	v19 =	vsel vm0, v23, v22;
	v20 =	vsel vm1, v24, v25  }
0x4b: {  	_ =	sdelay $0x3  }
0x4c: {  	v15 =	vld.idx.msk [tilespmem:v15+s8+$0x0], $0xffff  }
0x4d: {  	v14 =	vld.idx.msk [tilespmem:v14+s8+$0x0], $0xffff  }
0x4e: {  	v18 =	vld.idx.msk [tilespmem:v18+s2+$0x0], $0xffff;
	v19 =	vadd.f32 v20, v19  }
0x4f: {  	v10 =	vsub.f32 v10, v13;
	v46 =	vld.idx.msk [tilespmem:v17+s2+$0x0], $0xffff;
	v11 =	vsub.f32 v11, v16;
	vm0 =	veq.f32 v12, $1.000000000e+00  }
0x50: {  	v7 =	vadd.f32 v8, v7;
	v48 =	vadd.s32 s13, v0;
	v52 =	vsel vm0, $0x3F800000, v2  }
0x51: {  	v9 =	vld.idx.msk [tilespmem:v9+s8+$0x0], $0xffff;
	v47 =	vnsel vm0, $0x0, v19;
	v10 =	vand.u32 $0x7FFFFFFF, v10;
	v11 =	vand.u32 $0x7FFFFFFF, v11  }
0x52: {  	v7 =	vadd.f32 v52, v7;
	v6 =	vadd.f32 v47, v6;
	v49 =	vmul.f32 $4.500000000e+00, v10  }
0x53: {  	v50 =	vmul.f32 $4.500000000e+00, v11;
	v51 =	vadd.f32 $-5.555555600e-02, v10;
	v54 =	vadd.f32 $-5.555555600e-02, v11  }
0x54: {  	vm11 =	vlt.f32 v10, $1.111111120e-01;
	v15 =	vsub.f32 v15, v18;
	v13 =	vsub.f32 v14, v46  }
0x55: {  	vm1 =	vlt.f32 v11, $1.111111120e-01;
	v12 =	vmul.f32 v49, v10;
	v53 =	vmul.f32 v50, v11  }
0x56: {  	vm14 =	veq.f32 v9, $1.000000000e+00;
	v55 =	vand.u32 $0x7FFFFFFF, v15;
	v13 =	vand.u32 $0x7FFFFFFF, v13  }
0x57: {  	v8 =	vld.idx.msk [tilespmem:v48+s8+$0x0], $0xffff;
	v62 =	vsel vm14, $0x3F800000, v2;
	v56 =	vmul.f32 $4.500000000e+00, v55;
	v57 =	vmul.f32 $4.500000000e+00, v13  }
0x58: {  	v12 =	vsel vm11, v12, v51;
	v14 =	vsel vm1, v53, v54;
	v58 =	vadd.f32 $-5.555555600e-02, v55  }
0x59: {  	v59 =	vadd.f32 $-5.555555600e-02, v13;
	v11 =	vmul.f32 v56, v55;
	v15 =	vmul.f32 v57, v13  }
0x5a: {  	v12 =	vadd.f32 v14, v12;
	vm12 =	vlt.f32 v55, $1.111111120e-01;
	vm13 =	vlt.f32 v13, $1.111111120e-01  }
0x5b: {  	v7 =	vadd.f32 v62, v7;
	v10 =	vsel vm12, v11, v58;
	v60 =	vsel vm13, v15, v59  }
0x5c: {  	v61 =	vnsel vm14, $0x0, v12;
	vm15 =	veq.f32 v8, $1.000000000e+00;
	v9 =	vadd.f32 v60, v10  }
.Ltmp6:
0x5d: {  	v6 =	vadd.f32 v61, v6;
	v63 =	vsel vm15, $0x3F800000, v2;
	(pc) =	sbr.rel .LBB2_6-.Ltmp6, $4  }
0x5e: {  	v7 =	vadd.f32 v63, v7;
	v8 =	vnsel vm15, $0x0, v9  }
0x5f: {  	v6 =	vadd.f32 v8, v6  }
0x60: {  	[tilespmem:$0x9D00] =	vst v7  }
0x61: {  	[tilespmem:$0x9C80] =	vst v6  }
.LBB2_8:
0x62: {  	_ =	sfence.sel $0x180000  }
0x63: {  	[bflag:$0x0] =	sbarrier.arrive $0xFFFF  }
0x64: {  	p0 =	sne.s32 s1, $0x0;
	_ =	strace $0x90000047  }
0x65: {  	s0 =	sadd.s32 @!p0 $0x100000, s0;
	[bflag:$0x2] =	sbarrier.arrive $0xFFFF  }
0x66: {  	[sflag:s0] =	ssyncadd.tile.s32 @!p0 $0x1;
	_ =	shalt  }
.Lfunc_end2:
_tile_overlayer_lowered:
.L_overlay_start_2:
0x67: {  	(tag) =	ssettag $0x2  }
0x68: {  	s0 =	rddreg [dreg:$0x0];
	s2 =	stileid.u32  }
0x69: {  	s1 =	rddreg [dreg:$0x1];
	p0 =	sne.s32 s2, $0x0  }
0x6a: {  	s3 =	rddreg [dreg:$0x2];
	[bflag:$0x3] =	sbarrier.arrive $0xFFFF;
	s2 =	simm.s32 @!p0 $0x1C01  }
0x6b: {  	[timem:s3], [sflag:s2] =	dma.local @!p0 [hbm:s0], s1  }
0x6c: {  	s0 =	simm.s32 @!p0 $0x1  }
0x6d: {  	_ =	swait.ge @!p0 [sflag:s0], s1  }
0x6e: {  	s1 =	ssub.s32 @!p0 $0x0, s1;
	[sflag:s0] =	ssyncset.done @!p0 $0x0  }
0x6f: {  	[sflag:s0] =	ssyncadd.s32 @!p0 s1  }
0x70: {  	[bflag:$0x3] =	sbarrier.arrive $0xFFFF  }
0x71: {  	_ =	shalt  }

</sc_bundles>
